<compile_context>
chip_gen: v7x
topology: tpu7x:2x2x1
jax: 0.10.2.dev20260603
libtpu: 0.0.44.dev20260713+nightly
codegen_flags: <defaults>
</compile_context>

<pallas_src>
import jax
import jax.numpy as jnp
from jax import lax
from jax.experimental import pallas as pl
from jax.experimental.pallas import tpu as pltpu
from jax.experimental.pallas import tpu_sc as plsc

N = 10000
E = 320000
D = 128

NC = 2
NS = 16
NW = NC * NS
EPW = E // NW
CH = 128
NCH = 80
HNCH = NCH // 2
NG = HNCH // 2
CHM = 80
NCHM = EPW // CHM
NP = 10240
RPS = NP // NS

_mesh = plsc.VectorSubcoreMesh(core_axis_name="c", subcore_axis_name="s",
                               num_cores=NC)


def _deg_body(dst_hbm, ones_hbm, z_hbm, out_hbm, dst_v, ones_v, deg_sh):
    c = lax.axis_index("c")
    s = lax.axis_index("s")
    wid = s * NC + c
    pltpu.sync_copy(z_hbm.at[pl.ds(s * RPS, RPS)],
                    deg_sh.at[pl.ds(s * RPS, RPS)])
    pltpu.sync_copy(ones_hbm, ones_v)
    pltpu.sync_copy(dst_hbm.at[wid], dst_v)
    plsc.subcore_barrier()

    def chunk(j, carry):
        pltpu.sync_copy(ones_v, deg_sh.at[dst_v.at[j]], add=True)
        return carry

    lax.fori_loop(0, NCHM, chunk, 0)
    plsc.subcore_barrier()
    pltpu.sync_copy(deg_sh.at[pl.ds(s * RPS, RPS)],
                    out_hbm.at[c, pl.ds(s * RPS, RPS)])


@jax.jit
def _deg_pass(dst3, ones128, zeros128):
    return pl.kernel(
        _deg_body,
        out_type=jax.ShapeDtypeStruct((NC, NP, D), jnp.float32),
        mesh=_mesh,
        scratch_types=[
            pltpu.VMEM((NCHM, CHM), jnp.int32),
            pltpu.VMEM((CHM, D), jnp.float32),
            pltpu.VMEM_SHARED((NP, D), jnp.float32),
        ],
    )(dst3, ones128, zeros128)


def _msg_body(src_hbm, dst_hbm, u_hbm, z_hbm, out_hbm,
              src_v, dst_v, rows_v, acc_sh, gsem0, gsem1):
    c = lax.axis_index("c")
    s = lax.axis_index("s")
    wid = s * NC + c
    pltpu.sync_copy(z_hbm.at[pl.ds(s * RPS, RPS)],
                    acc_sh.at[pl.ds(s * RPS, RPS)])
    pltpu.sync_copy(src_hbm.at[wid], src_v)
    pltpu.sync_copy(dst_hbm.at[wid], dst_v)
    plsc.subcore_barrier()

    def grp(j, carry):
        pltpu.async_copy(u_hbm.at[src_v.at[j]], rows_v, gsem0).wait()
        pltpu.sync_copy(rows_v, acc_sh.at[dst_v.at[j]], add=True)
        return carry

    lax.fori_loop(0, NCHM, grp, 0)
    plsc.subcore_barrier()
    pltpu.sync_copy(acc_sh.at[pl.ds(s * RPS, RPS)],
                    out_hbm.at[c, pl.ds(s * RPS, RPS)])


@jax.jit
def _msg_pass(src3, dst3, u, zeros128):
    return pl.kernel(
        _msg_body,
        out_type=jax.ShapeDtypeStruct((NC, NP, D), jnp.float32),
        mesh=_mesh,
        scratch_types=[
            pltpu.VMEM((NCHM, CHM), jnp.int32),
            pltpu.VMEM((NCHM, CHM), jnp.int32),
            pltpu.VMEM((CHM, D), jnp.float32),
            pltpu.VMEM_SHARED((NP, D), jnp.float32),
            pltpu.SemaphoreType.DMA,
            pltpu.SemaphoreType.DMA,
        ],
    )(src3, dst3, u, zeros128)


R = 1000


def _leaky(v):
    return jnp.where(v > 0, v, 0.1 * v)


def _enc_body(degp_ref, x_ref, We_ref, be_ref, Wg1_ref, dinv_ref, u1_ref):
    deg = degp_ref[0, :, 0:1] + degp_ref[1, :, 0:1] + 1.0
    dinv = lax.rsqrt(deg)
    h0 = _leaky(jnp.dot(x_ref[...], We_ref[...],
                        preferred_element_type=jnp.float32) + be_ref[...])
    u1 = dinv * jnp.dot(h0, Wg1_ref[...], preferred_element_type=jnp.float32)
    dinv_ref[...] = jnp.broadcast_to(dinv, (R, D))
    u1_ref[...] = u1


def _mid_body(acc_ref, u_ref, dinv_ref, b_ref, W_ref, unext_ref):
    tot = acc_ref[0] + acc_ref[1] + u_ref[...]
    h = _leaky(dinv_ref[...] * tot + b_ref[...])
    unext_ref[...] = dinv_ref[...] * jnp.dot(
        h, W_ref[...], preferred_element_type=jnp.float32)


def _dec_body(acc_ref, u_ref, dinv_ref, b_ref, Wd_ref, bd_ref, out_ref):
    tot = acc_ref[0] + acc_ref[1] + u_ref[...]
    h = _leaky(dinv_ref[...] * tot + b_ref[...])
    out_ref[...] = jnp.dot(h, Wd_ref[...],
                           preferred_element_type=jnp.float32) + bd_ref[...]


_row_spec = pl.BlockSpec((R, D), lambda i: (i, 0))
_acc_spec = pl.BlockSpec((NC, R, D), lambda i: (0, i, 0))
_w_spec = pl.BlockSpec((D, D), lambda i: (0, 0))
_b_spec = pl.BlockSpec((1, D), lambda i: (0, 0))


@jax.jit
def _enc_pass(degp, x, W_enc, b_enc, W_g1):
    return pl.pallas_call(
        _enc_body,
        grid=(N // R,),
        in_specs=[_acc_spec, _row_spec, _w_spec, _b_spec, _w_spec],
        out_specs=[_row_spec, _row_spec],
        out_shape=[jax.ShapeDtypeStruct((N, D), jnp.float32),
                   jax.ShapeDtypeStruct((N, D), jnp.float32)],
    )(degp, x, W_enc, b_enc, W_g1)


@jax.jit
def _mid_pass(acc, u, dinv, b, W):
    return pl.pallas_call(
        _mid_body,
        grid=(N // R,),
        in_specs=[_acc_spec, _row_spec, _row_spec, _b_spec, _w_spec],
        out_specs=_row_spec,
        out_shape=jax.ShapeDtypeStruct((N, D), jnp.float32),
    )(acc, u, dinv, b, W)


@jax.jit
def _dec_pass(acc, u, dinv, b, W_dec, b_dec):
    return pl.pallas_call(
        _dec_body,
        grid=(N // R,),
        in_specs=[_acc_spec, _row_spec, _row_spec, _b_spec, _w_spec, _b_spec],
        out_specs=_row_spec,
        out_shape=jax.ShapeDtypeStruct((N, D), jnp.float32),
    )(acc, u, dinv, b, W_dec, b_dec)


def kernel(x, g, W_enc, b_enc, W_g1, b_g1, W_g2, b_g2, W_dec, b_dec):
    ones128 = jnp.ones((CHM, D), jnp.float32)
    zeros128 = jnp.zeros((NP, D), jnp.float32)
    b_enc2 = b_enc.reshape(1, D)
    b_g12 = b_g1.reshape(1, D)
    b_g22 = b_g2.reshape(1, D)
    b_dec2 = b_dec.reshape(1, D)

    src3m = g[0].reshape(NW, NCHM, CHM)
    dst3m = g[1].reshape(NW, NCHM, CHM)
    degp = _deg_pass(dst3m, ones128, zeros128)
    dinv, u1 = _enc_pass(degp, x, W_enc, b_enc2, W_g1)
    acc1 = _msg_pass(src3m, dst3m, u1, zeros128)
    u2 = _mid_pass(acc1, u1, dinv, b_g12, W_g2)
    acc2 = _msg_pass(src3m, dst3m, u2, zeros128)
    out = _dec_pass(acc2, u2, dinv, b_g22, W_dec, b_dec2)
    return out

# --- scband reference (transcript-rebuilt; emitter-appended) ---
"""Pipeline reference for scband-gcn-28037546508929 (READ-ONLY COPY).

The authoritative reference and input builder live on the scoring server;
editing this copy changes nothing except your own understanding.
"""

import jax, jax.numpy as jnp
import numpy as np

N = 10000
E = 320000
D = 128
H = 128
O = 128


def _leaky(x):
    return jnp.where(x > 0, x, 0.1 * x)


def _gcn_conv(h, src, dst, W, b):
    # PyG-style GCNConv: linear transform, add self-loops, sym-normalized scatter-add
    h = h @ W
    loop = jnp.arange(N, dtype=src.dtype)
    s = jnp.concatenate([src, loop])
    d = jnp.concatenate([dst, loop])
    deg = jnp.zeros((N,), h.dtype).at[d].add(1.0)
    dinv = jnp.where(deg > 0, deg ** -0.5, 0.0)
    norm = dinv[s] * dinv[d]
    msg = h[s] * norm[:, None]
    out = jnp.zeros_like(h).at[d].add(msg)
    return out + b


def setup_inputs(seed: int = 0):
    key = jax.random.key(seed)
    ks = jax.random.split(key, 10)
    x = jax.random.normal(ks[0], (N, D), dtype=jnp.float32)
    g = jax.random.randint(ks[1], (2, E), 0, N, dtype=jnp.int32)
    W_enc = jax.random.normal(ks[2], (D, H), dtype=jnp.float32) * (1.0 / np.sqrt(D))
    b_enc = jnp.zeros((H,), jnp.float32)
    W_g1 = jax.random.normal(ks[3], (H, H), dtype=jnp.float32) * (1.0 / np.sqrt(H))
    b_g1 = jnp.zeros((H,), jnp.float32)
    W_g2 = jax.random.normal(ks[4], (H, H), dtype=jnp.float32) * (1.0 / np.sqrt(H))
    b_g2 = jnp.zeros((H,), jnp.float32)
    W_dec = jax.random.normal(ks[5], (H, O), dtype=jnp.float32) * (1.0 / np.sqrt(H))
    b_dec = jnp.zeros((O,), jnp.float32)
    return {"x": x, "g": g, "W_enc": W_enc, "b_enc": b_enc, "W_g1": W_g1, "b_g1": b_g1, "W_g2": W_g2, "b_g2": b_g2, "W_dec": W_dec, "b_dec": b_dec}


def reference(x, g, W_enc, b_enc, W_g1, b_g1, W_g2, b_g2, W_dec, b_dec):
    # eval mode: dropout is identity
    src = g[0]
    dst = g[1]
    h = _leaky(x @ W_enc + b_enc)
    h = _leaky(_gcn_conv(h, src, dst, W_g1, b_g1))
    h = _leaky(_gcn_conv(h, src, dst, W_g2, b_g2))
    return h @ W_dec + b_dec

if __name__ == "__main__":
    import jax
    _d = setup_inputs()
    print(jax.jit(kernel)(*tuple(_d.values())))

</pallas_src>

<mosaic_0001>
#map = affine_map<(d0, d1) -> (0, 0, 0)>
#map1 = affine_map<(d0, d1) -> (0, 0)>
module attributes {stable_mosaic.version = 14 : i64} {
  func.func @_deg_body(%arg0: i32, %arg1: i32, %arg2: memref<32x125x80xi32, #tpu.memory_space<hbm>>, %arg3: memref<80x128xf32, #tpu.memory_space<hbm>>, %arg4: memref<10240x128xf32, #tpu.memory_space<hbm>>, %arg5: memref<2x10240x128xf32, #tpu.memory_space<hbm>>, %arg6: memref<125x80xi32, #tpu.memory_space<vmem>>, %arg7: memref<80x128xf32, #tpu.memory_space<vmem>>, %arg8: memref<10240x128xf32, #tpu.memory_space<vmem_shared>>) attributes {dimension_semantics = [#tpu.dimension_semantics<core_parallel>, #tpu.dimension_semantics<subcore_parallel>], iteration_bounds = array<i64: 2, 16>, scalar_prefetch = 0 : i64, scratch_operands = 3 : i64, tpu.core_type = #tpu.core_type<sc_vector_subcore>, window_params = [{transform_indices = #map}, {transform_indices = #map1}, {transform_indices = #map1}, {transform_indices = #map}]} {
    %mul3A = arith.constant 2 : i32
    %mul3A_0 = arith.muli %arg1, %mul3A : i32
    %add3A = arith.addi %mul3A_0, %arg0 : i32
    %mul3A_1 = arith.constant 640 : i32
    %mul3A_2 = arith.muli %arg1, %mul3A_1 : i32
    %mul3A_3 = arith.constant 640 : i32
    %mul3A_4 = arith.muli %arg1, %mul3A_3 : i32
    "tpu.region"() ({
      %run_scoped3A = tpu.sem_alloc : memref<!tpu.dma_semaphore, #tpu.memory_space<semaphore_mem>>
      %dma_start3A = arith.constant 0 : i32
      %dma_start3A_15 = tpu.memref_slice %arg8[%mul3A_4, %dma_start3A] : memref<10240x128xf32, #tpu.memory_space<vmem_shared>> -> memref<640x128xf32, #tpu.memory_space<vmem_shared>>
      %dma_start3A_16 = arith.constant 0 : i32
      %dma_start3A_17 = tpu.memref_slice %arg4[%mul3A_2, %dma_start3A_16] : memref<10240x128xf32, #tpu.memory_space<hbm>> -> memref<640x128xf32, #tpu.memory_space<hbm>>
      tpu.enqueue_dma source(%dma_start3A_17 : memref<640x128xf32, #tpu.memory_space<hbm>>) target(%dma_start3A_15 : memref<640x128xf32, #tpu.memory_space<vmem_shared>>) target_semaphore(%run_scoped3A : memref<!tpu.dma_semaphore, #tpu.memory_space<semaphore_mem>>)
      %dma_wait3A = arith.constant 0 : i32
      %dma_wait3A_18 = tpu.memref_slice %arg8[%mul3A_4, %dma_wait3A] : memref<10240x128xf32, #tpu.memory_space<vmem_shared>> -> memref<640x128xf32, #tpu.memory_space<vmem_shared>>
      %dma_wait3A_19 = arith.constant 0 : i32
      %dma_wait3A_20 = tpu.memref_slice %arg4[%mul3A_2, %dma_wait3A_19] : memref<10240x128xf32, #tpu.memory_space<hbm>> -> memref<640x128xf32, #tpu.memory_space<hbm>>
      tpu.wait_dma2 semaphore(%run_scoped3A : memref<!tpu.dma_semaphore, #tpu.memory_space<semaphore_mem>>) src(%dma_wait3A_20 : memref<640x128xf32, #tpu.memory_space<hbm>>) dst(%dma_wait3A_18 : memref<640x128xf32, #tpu.memory_space<vmem_shared>>)
      tpu.yield
    }) : () -> ()
    "tpu.region"() ({
      %run_scoped3A = tpu.sem_alloc : memref<!tpu.dma_semaphore, #tpu.memory_space<semaphore_mem>>
      tpu.enqueue_dma source(%arg3 : memref<80x128xf32, #tpu.memory_space<hbm>>) target(%arg7 : memref<80x128xf32, #tpu.memory_space<vmem>>) target_semaphore(%run_scoped3A : memref<!tpu.dma_semaphore, #tpu.memory_space<semaphore_mem>>)
      tpu.wait_dma2 semaphore(%run_scoped3A : memref<!tpu.dma_semaphore, #tpu.memory_space<semaphore_mem>>) src(%arg3 : memref<80x128xf32, #tpu.memory_space<hbm>>) dst(%arg7 : memref<80x128xf32, #tpu.memory_space<vmem>>)
      tpu.yield
    }) : () -> ()
    "tpu.region"() ({
      %run_scoped3A = tpu.sem_alloc : memref<!tpu.dma_semaphore, #tpu.memory_space<semaphore_mem>>
      %dma_start3A = arith.constant 0 : i32
      %dma_start3A_15 = arith.constant 0 : i32
      %dma_start3A_16 = tpu.memref_slice %arg2[%add3A, %dma_start3A, %dma_start3A_15] : memref<32x125x80xi32, #tpu.memory_space<hbm>> -> memref<1x125x80xi32, #tpu.memory_space<hbm>>
      %dma_start3A_17 = tpu.memref_squeeze %dma_start3A_16 : memref<1x125x80xi32, #tpu.memory_space<hbm>> -> memref<125x80xi32, #tpu.memory_space<hbm>>
      %dma_start3A_18 = arith.constant 0 : i32
      %dma_start3A_19 = arith.constant 0 : i32
      %dma_start3A_20 = tpu.memref_slice %arg2[%add3A, %dma_start3A_18, %dma_start3A_19] : memref<32x125x80xi32, #tpu.memory_space<hbm>> -> memref<1x125x80xi32, #tpu.memory_space<hbm>>
      %dma_start3A_21 = tpu.memref_squeeze %dma_start3A_20 : memref<1x125x80xi32, #tpu.memory_space<hbm>> -> memref<125x80xi32, #tpu.memory_space<hbm>>
      tpu.enqueue_dma source(%dma_start3A_21 : memref<125x80xi32, #tpu.memory_space<hbm>>) target(%arg6 : memref<125x80xi32, #tpu.memory_space<vmem>>) target_semaphore(%run_scoped3A : memref<!tpu.dma_semaphore, #tpu.memory_space<semaphore_mem>>)
      %dma_wait3A = arith.constant 0 : i32
      %dma_wait3A_22 = arith.constant 0 : i32
      %dma_wait3A_23 = tpu.memref_slice %arg2[%add3A, %dma_wait3A, %dma_wait3A_22] : memref<32x125x80xi32, #tpu.memory_space<hbm>> -> memref<1x125x80xi32, #tpu.memory_space<hbm>>
      %dma_wait3A_24 = tpu.memref_squeeze %dma_wait3A_23 : memref<1x125x80xi32, #tpu.memory_space<hbm>> -> memref<125x80xi32, #tpu.memory_space<hbm>>
      %dma_wait3A_25 = arith.constant 0 : i32
      %dma_wait3A_26 = arith.constant 0 : i32
      %dma_wait3A_27 = tpu.memref_slice %arg2[%add3A, %dma_wait3A_25, %dma_wait3A_26] : memref<32x125x80xi32, #tpu.memory_space<hbm>> -> memref<1x125x80xi32, #tpu.memory_space<hbm>>
      %dma_wait3A_28 = tpu.memref_squeeze %dma_wait3A_27 : memref<1x125x80xi32, #tpu.memory_space<hbm>> -> memref<125x80xi32, #tpu.memory_space<hbm>>
      tpu.wait_dma2 semaphore(%run_scoped3A : memref<!tpu.dma_semaphore, #tpu.memory_space<semaphore_mem>>) src(%dma_wait3A_28 : memref<125x80xi32, #tpu.memory_space<hbm>>) dst(%arg6 : memref<125x80xi32, #tpu.memory_space<vmem>>)
      tpu.yield
    }) : () -> ()
    %barrier3A = arith.constant 0 : index
    tpu.barrier barrier_id(%barrier3A)
    %scan3A = arith.constant 0 : i32
    %scan3A_5 = arith.constant 0 : i32
    %scan3A_6 = arith.constant 125 : i32
    %scan3A_7 = arith.addi %scan3A_5, %scan3A_6 : i32
    %scan3A_8 = arith.constant 1 : i32
    scf.for %scan3A_15 = %scan3A_5 to %scan3A_7 step %scan3A_8  : i32 {
      "tpu.region"() ({
        %run_scoped3A = tpu.sem_alloc : memref<!tpu.dma_semaphore, #tpu.memory_space<semaphore_mem>>
        %dma_start3A = arith.constant 0 : i32
        %dma_start3A_16 = tpu.memref_slice %arg6[%scan3A_15, %dma_start3A] : memref<125x80xi32, #tpu.memory_space<vmem>> -> memref<1x80xi32, #tpu.memory_space<vmem>>
        %dma_start3A_17 = tpu.memref_squeeze %dma_start3A_16 : memref<1x80xi32, #tpu.memory_space<vmem>> -> memref<80xi32, #tpu.memory_space<vmem>>
        %dma_start3A_18 = arith.constant 0 : i32
        %dma_start3A_19 = arith.constant 0 : i32
        %dma_start3A_20 = tpu.memref_slice %arg8[%dma_start3A_18, %dma_start3A_19] : memref<10240x128xf32, #tpu.memory_space<vmem_shared>> -> memref<10240x128xf32, #tpu.memory_space<vmem_shared>>
        tpu.enqueue_indirect_dma source(%arg7 : memref<80x128xf32, #tpu.memory_space<vmem>>) target(%dma_start3A_20 : memref<10240x128xf32, #tpu.memory_space<vmem_shared>>) offsets(%dma_start3A_17 : memref<80xi32, #tpu.memory_space<vmem>>) semaphore(%run_scoped3A : memref<!tpu.dma_semaphore, #tpu.memory_space<semaphore_mem>>) {add = true}
        %dma_wait3A = arith.constant 0 : i32
        %dma_wait3A_21 = tpu.memref_slice %arg6[%scan3A_15, %dma_wait3A] : memref<125x80xi32, #tpu.memory_space<vmem>> -> memref<1x80xi32, #tpu.memory_space<vmem>>
        %dma_wait3A_22 = tpu.memref_squeeze %dma_wait3A_21 : memref<1x80xi32, #tpu.memory_space<vmem>> -> memref<80xi32, #tpu.memory_space<vmem>>
        %dma_wait3A_23 = arith.constant 0 : i32
        %dma_wait3A_24 = arith.constant 0 : i32
        %dma_wait3A_25 = tpu.memref_slice %arg8[%dma_wait3A_23, %dma_wait3A_24] : memref<10240x128xf32, #tpu.memory_space<vmem_shared>> -> memref<10240x128xf32, #tpu.memory_space<vmem_shared>>
        tpu.wait_indirect_dma semaphore(%run_scoped3A : memref<!tpu.dma_semaphore, #tpu.memory_space<semaphore_mem>>) src(%arg7 : memref<80x128xf32, #tpu.memory_space<vmem>>) dst(%dma_wait3A_25 : memref<10240x128xf32, #tpu.memory_space<vmem_shared>>)
        tpu.yield
      }) : () -> ()
    }
    %scan3A_9 = arith.constant 125 : i32
    %barrier3A_10 = arith.constant 0 : index
    tpu.barrier barrier_id(%barrier3A_10)
    %mul3A_11 = arith.constant 640 : i32
    %mul3A_12 = arith.muli %arg1, %mul3A_11 : i32
    %mul3A_13 = arith.constant 640 : i32
    %mul3A_14 = arith.muli %arg1, %mul3A_13 : i32
    "tpu.region"() ({
      %run_scoped3A = tpu.sem_alloc : memref<!tpu.dma_semaphore, #tpu.memory_space<semaphore_mem>>
      %dma_start3A = arith.constant 0 : i32
      %dma_start3A_15 = tpu.memref_slice %arg5[%arg0, %mul3A_14, %dma_start3A] : memref<2x10240x128xf32, #tpu.memory_space<hbm>> -> memref<1x640x128xf32, #tpu.memory_space<hbm>>
      %dma_start3A_16 = tpu.memref_squeeze %dma_start3A_15 : memref<1x640x128xf32, #tpu.memory_space<hbm>> -> memref<640x128xf32, #tpu.memory_space<hbm>>
      %dma_start3A_17 = arith.constant 0 : i32
      %dma_start3A_18 = tpu.memref_slice %arg8[%mul3A_12, %dma_start3A_17] : memref<10240x128xf32, #tpu.memory_space<vmem_shared>> -> memref<640x128xf32, #tpu.memory_space<vmem_shared>>
      tpu.enqueue_dma source(%dma_start3A_18 : memref<640x128xf32, #tpu.memory_space<vmem_shared>>) target(%dma_start3A_16 : memref<640x128xf32, #tpu.memory_space<hbm>>) target_semaphore(%run_scoped3A : memref<!tpu.dma_semaphore, #tpu.memory_space<semaphore_mem>>)
      %dma_wait3A = arith.constant 0 : i32
      %dma_wait3A_19 = tpu.memref_slice %arg5[%arg0, %mul3A_14, %dma_wait3A] : memref<2x10240x128xf32, #tpu.memory_space<hbm>> -> memref<1x640x128xf32, #tpu.memory_space<hbm>>
      %dma_wait3A_20 = tpu.memref_squeeze %dma_wait3A_19 : memref<1x640x128xf32, #tpu.memory_space<hbm>> -> memref<640x128xf32, #tpu.memory_space<hbm>>
      %dma_wait3A_21 = arith.constant 0 : i32
      %dma_wait3A_22 = tpu.memref_slice %arg8[%mul3A_12, %dma_wait3A_21] : memref<10240x128xf32, #tpu.memory_space<vmem_shared>> -> memref<640x128xf32, #tpu.memory_space<vmem_shared>>
      tpu.wait_dma2 semaphore(%run_scoped3A : memref<!tpu.dma_semaphore, #tpu.memory_space<semaphore_mem>>) src(%dma_wait3A_22 : memref<640x128xf32, #tpu.memory_space<vmem_shared>>) dst(%dma_wait3A_20 : memref<640x128xf32, #tpu.memory_space<hbm>>)
      tpu.yield
    }) : () -> ()
    return
  }
}

</mosaic_0001>

<sc_bundles>
// kernel: _deg_pass.3.cloned.1.call-start
scs
__scs_entry_jumppad:
0x0: {  	(pc) =	sbr.rel $0x88, $3  }
0x1: {  	(tag) =	ssettag $0x0;
	lr =	simm.s32 $0x1  }
0x2: {  	[smem:$0x3F9E] =	sst lr;
	_ =	strace $0xD0000000  }
0x3: {  	_ = 	snop  }
0x4: {  	_ = 	snop  }
0x5: {  	_ = 	snop  }
0x6: {  	_ = 	snop  }
0x7: {  	_ = 	snop  }
__scs_overlays_trampoline_lowered:
0x8: {  	[smem:$0x3FAD] =	sst s0  }
0x9: {  	[smem:$0x3FAE] =	sst s1  }
0xa: {  	[smem:$0x3FAF] =	sst s2  }
0xb: {  	[smem:$0x3FB0] =	sst s3  }
0xc: {  	[smem:$0x3FB1] =	sst s4  }
0xd: {  	[smem:$0x3FB2] =	sst s5  }
0xe: {  	[smem:$0x3FB3] =	sst s6  }
0xf: {  	[smem:$0x3FB4] =	sst s7  }
0x10: {  	[smem:$0x3FB5] =	sst s8  }
0x11: {  	[smem:$0x3FB6] =	sst s9;
	s0 =	simm.s32 @!p0 $0x0  }
0x12: {  	s1 =	sld [smem:$0x3F9C];
	s0 =	simm.s32 @p0 $0x1  }
0x13: {  	[smem:$0x3FB7] =	sst s0;
	s0 =	simm.s32 @!p1 $0x0  }
0x14: {  	s2 =	sld [smem:$0x3F9B];
	s0 =	simm.s32 @p1 $0x1  }
0x15: {  	[smem:$0x3FB8] =	sst s0;
	s0 =	simm.s32 @!p2 $0x0  }
0x16: {  	s3 =	sld [smem:$0x3FDB];
	s0 =	simm.s32 @p2 $0x1  }
0x17: {  	s4 =	simm.s32 $0x1BF5;
	[smem:$0x3FBA] =	sst s0  }
0x18: {  	s0 =	sld [smem:$0x3F9D];
	_ =	swait.ge [sflag:s4], $0x0  }
0x19: {  	s7 =	sld [smem:$0x3F9E]  }
0x1a: {  	s8 =	sadd.s32 $0xFFFFE003, lr  }
0x1b: {  	s9 =	sadd.s32 $0xFFFFFEF7, lr;
	s5 =	simm.s32 $0xFFFFFFFF;
	p2 =	slt.u32 s8, $0xFFFFF086  }
0x1c: {  	p1 =	slt.u32 s9, $0xF7A;
	s5 =	simm.s32 @!p2 $0x0  }
0x1d: {  	s5 =	simm.s32 @p1 $0x1;
	p0 =	seq.s32 s7, s2  }
0x1e: {  	s7 =	smul.u32 @!p0 $0xF7A, s2;
	p2 =	seq.s32 @!p0 s5, $0x0  }
0x1f: {  	s9 =	smul.u32 $0xF7A, s1;
	s8 =	simm.s32 @!p0 $0x1BF5;
	p2 =	por !p2, p0  }
0x20: {  	[sflag:s8] =	ssyncset.s32 @!p0 $0xFFFFF086;
	s6 =	sadd.s32 @!p0 s3, s7;
	s7 =	simm.s32 @!p0 $0x108  }
0x21: {  	s3 =	sadd.s32 s3, s9;
	s6 =	sadd.s32 @!p0 $0x88, s6;
	s7 =	simm.s32 @p2 $0x1082  }
0x22: {  	[simem:s7], [sflag:s8] =	dma.local @!p0 [hbm:s6], $0xF7A  }
0x23: {  	s9 =	sor.u32 $0xD0000000, s2;
	s6 =	simm.s32 $0x108;
	_ =	swait.ge @!p0 [sflag:s8], $0x0  }
0x24: {  	s3 =	sadd.s32 $0x88, s3;
	s6 =	simm.s32 @!p1 $0x1082;
	[sflag:s4] =	ssyncset.s32 $0xFFFFF086  }
0x25: {  	[simem:s6], [sflag:s4] =	dma.local [hbm:s3], $0xF7A  }
0x26: {  	[smem:$0x3F9E] =	sst s1;
	(tag) =	ssettag s2;
	_ =	strace s9  }
0x27: {  	s1 =	sld [smem:$0x3FAE]  }
0x28: {  	s2 =	sld [smem:$0x3FAF]  }
0x29: {  	s4 =	sld [smem:$0x3FB1]  }
0x2a: {  	p0 =	seq.s32 s5, $0x0;
	s5 =	sld [smem:$0x3FB2]  }
0x2b: {  	s6 =	sld [smem:$0x3FB3]  }
0x2c: {  	s7 =	sld [smem:$0x3FB4]  }
0x2d: {  	s3 =	simm.s32 $0x108;
	s8 =	sld [smem:$0x3FB5]  }
0x2e: {  	s3 =	simm.s32 @!p0 $0x1082;
	s9 =	sld [smem:$0x3FB6]  }
0x2f: {  	lr =	sadd.s32 s0, s3;
	s0 =	sld [smem:$0x3FAD]  }
0x30: {  	s3 =	sld [smem:$0x3FB0]  }
0x31: {  	[smem:$0x3FB9] =	sst s10  }
0x32: {  	s10 =	sld [smem:$0x3FB7];
	_ =	sdelay $0x3  }
0x33: {  	p0 =	seq.s32 s10, $0x1;
	s10 =	sld [smem:$0x3FB9];
	_ =	sdelay $0x3  }
0x34: {  	[smem:$0x3FB9] =	sst s10  }
0x35: {  	s10 =	sld [smem:$0x3FB8];
	_ =	sdelay $0x3  }
0x36: {  	p1 =	seq.s32 s10, $0x1;
	s10 =	sld [smem:$0x3FB9];
	_ =	sdelay $0x3  }
0x37: {  	[smem:$0x3FB9] =	sst s10  }
0x38: {  	s10 =	sld [smem:$0x3FBA]  }
0x39: {  	_ = 	snop;
	(pc) =	sbr.ind lr, $3  }
0x3a: {  	_ = 	snop  }
0x3b: {  	_ = 	snop  }
0x3c: {  	p2 =	seq.s32 s10, $0x1;
	s10 =	sld [smem:$0x3FB9]  }
0x3d: {  	_ =	shalt  }
0x3e: {  	_ =	shalt  }
0x3f: {  	_ =	shalt  }
0x40: {  	_ =	shalt  }
0x41: {  	_ =	shalt  }
0x42: {  	_ =	shalt  }
0x43: {  	_ =	shalt  }
0x44: {  	_ =	shalt  }
0x45: {  	_ =	shalt  }
0x46: {  	_ =	shalt  }
0x47: {  	_ =	shalt  }
0x48: {  	_ =	shalt  }
0x49: {  	_ =	shalt  }
0x4a: {  	_ =	shalt  }
0x4b: {  	_ =	shalt  }
0x4c: {  	_ =	shalt  }
0x4d: {  	_ =	shalt  }
0x4e: {  	_ =	shalt  }
0x4f: {  	_ =	shalt  }
0x50: {  	_ =	shalt  }
0x51: {  	_ =	shalt  }
0x52: {  	_ =	shalt  }
0x53: {  	_ =	shalt  }
0x54: {  	_ =	shalt  }
0x55: {  	_ =	shalt  }
0x56: {  	_ =	shalt  }
0x57: {  	_ =	shalt  }
0x58: {  	_ =	shalt  }
0x59: {  	_ =	shalt  }
0x5a: {  	_ =	shalt  }
0x5b: {  	_ =	shalt  }
0x5c: {  	_ =	shalt  }
0x5d: {  	_ =	shalt  }
0x5e: {  	_ =	shalt  }
0x5f: {  	_ =	shalt  }
0x60: {  	_ =	shalt  }
0x61: {  	_ =	shalt  }
0x62: {  	_ =	shalt  }
0x63: {  	_ =	shalt  }
0x64: {  	_ =	shalt  }
0x65: {  	_ =	shalt  }
0x66: {  	_ =	shalt  }
0x67: {  	_ =	shalt  }
0x68: {  	_ =	shalt  }
0x69: {  	_ =	shalt  }
0x6a: {  	_ =	shalt  }
0x6b: {  	_ =	shalt  }
0x6c: {  	_ =	shalt  }
0x6d: {  	_ =	shalt  }
0x6e: {  	_ =	shalt  }
0x6f: {  	_ =	shalt  }
0x70: {  	_ =	shalt  }
0x71: {  	_ =	shalt  }
0x72: {  	_ =	shalt  }
0x73: {  	_ =	shalt  }
0x74: {  	_ =	shalt  }
0x75: {  	_ =	shalt  }
0x76: {  	_ =	shalt  }
0x77: {  	_ =	shalt  }
0x78: {  	_ =	shalt  }
0x79: {  	_ =	shalt  }
0x7a: {  	_ =	shalt  }
0x7b: {  	_ =	shalt  }
0x7c: {  	_ =	shalt  }
0x7d: {  	_ =	shalt  }
0x7e: {  	_ =	shalt  }
0x7f: {  	_ =	shalt  }
0x80: {  	_ =	shalt  }
0x81: {  	_ =	shalt  }
0x82: {  	_ =	shalt  }
0x83: {  	_ =	shalt  }
0x84: {  	_ =	shalt  }
0x85: {  	_ =	shalt  }
0x86: {  	_ =	shalt  }
0x87: {  	_ =	shalt  }
.Lfunc_end0:
.L_simem_size_0:
called_computation_lowered:
.L_overlay_start_0:
0x88: {  	s2 =	sld [smem:$0x3FD9]  }
0x89: {  	s3 =	sld [smem:$0x3FFE];
	_ =	sdelay $0x1  }
0x8a: {  	s1 =	srdreg.scid  }
0x8b: {  	s0 =	sand.u32 $0x1, s1  }
0x8c: {  	s17 =	sshll.u32 s0, $0xA;
	s2 =	sadd.s32 s3, s2  }
0x8d: {  	s2 =	sadd.s32 s2, s17  }
0x8e: {  	[smem:$0x3FC5] =	sst s2  }
0x8f: {  	_ = 	snop  }
0x90: {  	s2 =	sld [smem:$0x3FC8]  }
0x91: {  	s18 =	sld [smem:$0x3FC7]  }
0x92: {  	s4 =	sld [smem:$0x3FD0];
	(tm) =	ssettm $0x1  }
0x93: {  	s5 =	sld [smem:$0x3FFB];
	_ =	sdelay $0x3  }
0x94: {  	_ =	strace s5  }
0x95: {  	s5 =	sld [smem:$0x3FFC];
	_ =	sdelay $0x3  }
0x96: {  	_ =	strace s5  }
0x97: {  	s5 =	sld [smem:$0x3FFD];
	_ =	sdelay $0x3  }
0x98: {  	_ =	strace s5  }
0x99: {  	_ =	strace $0x8FFFFFFF  }
0x9a: {  	s19 =	sld [smem:$0x3FDB];
	_ =	sdelay $0x1  }
0x9b: {  	s6 =	simm.s32 $_scs_section_size  }
0x9c: {  	s7 =	simm.s32 $_size__tile_overlayer_lowered;
	s8 =	simm.s32 $_tile_overlayer_lowered  }
0x9d: {  	s22 =	simm.s32 $0x1BFF;
	s21 =	sshll.u32 s8, $0x1;
	s5 =	sadd.s32 s6, s19  }
0x9e: {  	s9 =	simm.s32 $0x0;
	s20 =	sshll.u32 s7, $0x1;
	s7 =	sadd.s32 s21, s5  }
0x9f: {  	[timem:s9], [sflag:s22] =	dma.local [hbm:s7], s20  }
0xa0: {  	_ =	swait.ge [sflag:s22], s20  }
0xa1: {  	s6 =	ssub.s32 $0x0, s20;
	[sflag:s22] =	ssyncset.done $0x0  }
0xa2: {  	[sflag:s22] =	ssyncadd.s32 s6;
	_ =	sdelay $0x1  }
0xa3: {  	s23 =	simm.s32 $0x1B8B  }
0xa4: {  	_ =	swait.ge [sflag:s23], $0x1  }
0xa5: {  	[sflag:s23] =	ssyncset.done $0x0  }
0xa6: {  	s25 =	simm.s32 $0x1B8E;
	s24 =	sld [smem:$0x3FFE];
	[sflag:s23] =	ssyncadd.s32 $0xFFFFFFFF  }
0xa7: {  	s26 =	simm.s32 $execute0_lowered;
	[smem:$0x3FD2] =	sst s25  }
0xa8: {  	s7 =	sshll.u32 s26, $0x1;
	_ =	strace $0x80000046;
	[dreg:$0x1] =	wrdreg $0xFFFFFFFF  }
0xa9: {  	s28 =	simm.s32 $_size_execute0_lowered;
	s5 =	sadd.s32 s5, s7;
	[dreg:$0x0] =	wrdreg $0x0  }
0xaa: {  	s7 =	sshll.u32 s28, $0x1;
	[dreg:$0x2] =	wrdreg s5  }
0xab: {  	[dreg:$0x3] =	wrdreg s7  }
0xac: {  	[dreg:$0x4] =	wrdreg $0xC0  }
0xad: {  	_ =	task [dreg:s9], $0x5FFFF  }
0xae: {  	[dreg:$0x1] =	wrdreg $0xFFFFFFFF  }
0xaf: {  	[dreg:$0x0] =	wrdreg $0x60  }
0xb0: {  	[dreg:$0x2] =	wrdreg s24  }
0xb1: {  	[dreg:$0x3] =	wrdreg s2  }
0xb2: {  	[dreg:$0x4] =	wrdreg s18  }
0xb3: {  	[dreg:$0x5] =	wrdreg s4  }
0xb4: {  	[dreg:$0x6] =	wrdreg $0x68000  }
0xb5: {  	[dreg:$0x7] =	wrdreg $0x9  }
0xb6: {  	_ =	task.clear_ibuf [dreg:s9], $0x8FFFF;
	_ =	strace $0x90000046  }
0xb7: {  	s29 =	simm.s32 $0x9;
	_ =	strace $0x80000048  }
0xb8: {  	_ =	swait.ge [sflag:s29], $0x1  }
0xb9: {  	[sflag:s29] =	ssyncadd.s32 $0xFFFFFFFF  }
0xba: {  	_ =	strace $0x90000048  }
0xbb: {  	_ =	sfence  }
0xbc: {  	s30 =	sld [smem:$0x0];
	_ =	sdelay $0x2  }
0xbd: {  	s31 =	sshll.u32 s1, $0xD;
	s1 =	sshrl.u32 s1, $0x2  }
0xbe: {  	s3 =	sand.u32 $0x4000, s31;
	s1 =	sadd.s32 s1, s30  }
0xbf: {  	s0 =	sor.u32 s3, s0;
	s1 =	sshll.u32 s1, $0x11  }
0xc0: {  	s0 =	sor.u32 s1, s0  }
0xc1: {  	s0 =	sadd.s32 $0x8F2B, s0  }
0xc2: {  	[sflag:s0] =	ssyncadd.remote.s32 $0x1  }
0xc3: {  	_ =	sfence.sel $0xFFFF  }
0xc4: {  	[dreg:$0x0] =	wrdreg $0xFFFFFFFF;
	(pc) =	sbr.abs _section_cstart, $3  }
0xc5: {  	[dreg:$0x1] =	wrdreg $0xFFFFFFFF  }
0xc6: {  	_ =	task.clear_ibuf [dreg:s9], $0x2FFFF;
	_ =	strace $0x9FFFFFFF  }
0xc7: {  	(tm) =	ssettm $0x7FFFFFFF  }
tec
execute0_lowered:
.L_overlay_start_1:
0x0: {  	(tag) =	ssettag $0x1  }
0x1: {  	s5 =	rddreg [dreg:$0x0]  }
0x2: {  	s1 =	rddreg [dreg:$0x1]  }
0x3: {  	s6 =	rddreg [dreg:$0x2]  }
0x4: {  	s8 =	rddreg [dreg:$0x3]  }
0x5: {  	s2 =	rddreg [dreg:$0x4]  }
0x6: {  	s0 =	rddreg [dreg:$0x5];
	s4 =	simm.s32 $0x0;
	s3 =	srdreg.scid  }
0x7: {  	[smem:$0x7FF] =	sst s4;
	s7 =	sand.u32 $0x1, s3;
	s3 =	stileid.u32  }
0x8: {  	s14 =	simm.s32 $0x0;
	_ =	strace $0x80000047;
	s10 =	smul.u32 $0x50000, s3  }
0x9: {  	s9 =	sshll.u32 s7, $0xB;
	s28 =	ssub.s32 $0x2, s7;
	s11 =	smul.u32 $0x14000, s3  }
0xa: {  	s7 =	smul.u32 $0x140000, s7;
	s30 =	sshll.u32 s3, $0xC;
	s31 =	sshll.u32 s3, $0x6  }
0xb: {  	s9 =	sadd.s32 s9, s5;
	s12 =	sshrl.u32 s28, $0x1;
	s10 =	sshrl.u32 s10, $0x2  }
0xc: {  	s12 =	ssub.s32 s28, s12;
	s29 =	sshrl.u32 s11, $0x3;
	s7 =	sadd.s32 s11, s7  }
0xd: {  	s9 =	sadd.s32 s30, s9;
	s11 =	simm.s32 $0x1;
	s10 =	sadd.s32 s10, s2  }
0xe: {  	s5 =	sadd.s32 s6, s29;
	s13 =	sshrl.u32 s7, $0x3;
	s6 =	sor.u32 $0x1C01, s31  }
0xf: {  	s7 =	sadd.s32 $0x400, s9;
	s9 =	smax.u32 s12, $0x1;
	s12 =	simm.s32 $0x4000  }
0x10: {  	s8 =	sadd.s32 s8, s13;
	s10 =	sshrl.u32 s10, $0x3;
	s13 =	simm.s32 $0x50  }
.LBB2_1:
0x11: {  	[spmem:s10], [sflag:s6] =	dma.local [hbm:s5], $0x2800  }
0x12: {  	_ =	swait.ge [sflag:s11], $0x2800  }
0x13: {  	[sflag:s11] =	ssyncset.done $0x0  }
0x14: {  	[sflag:s11] =	ssyncadd.s32 $0xFFFFD800  }
0x15: {  	[tilespmem:s12], [sflag:$0x1] =	stream.linear.gather [hbm4b:s1+s4], $0x2800, $0x38;
	[tilespmem:$0x1A800] =	vst v63  }
0x16: {  	_ =	swait.ge [sflag:s11], $0x2800  }
0x17: {  	[sflag:s11] =	ssyncset.done $0x0  }
0x18: {  	[sflag:s11] =	ssyncadd.s32 $0xFFFFD800  }
0x19: {  	[tilespmem:s4], [sflag:$0x1] =	stream.linear.gather [hbm4b:s7+s4], $0x3E80, $0x38;
	[tilespmem:$0x1A800] =	vst v63  }
0x1a: {  	_ =	swait.ge [sflag:s11], $0x3E80  }
0x1b: {  	[sflag:s11] =	ssyncset.done $0x0  }
0x1c: {  	[sflag:s11] =	ssyncadd.s32 $0xFFFFC180  }
0x1d: {  	s15 =	simm.s32 $0x0;
	[bflag:$0x0] =	sbarrier.arrive $0xFFFF  }
0x1e: {  	[spmem:s2] =	stream.indirect.scatter.add.f32 [tilespmem:s12], [sflag:$0x1], $0x80, s15, s13, $0xb8;
	[tilespmem:$0x1A800] =	vst v63  }
0x1f: {  	_ =	swait.ge [sflag:s11], $0x2800  }
0x20: {  	s15 =	simm.s32 $0x200;
	[sflag:s11] =	ssyncset.done $0x0  }
.LBB2_2:
0x21: {  	s16 =	sshra.s32 s15, $0x2;
	[sflag:s11] =	ssyncadd.s32 $0xFFFFD800;
	p0 =	sne.s32 s15, $0xF800  }
0x22: {  	[spmem:s2] =	stream.indirect.scatter.add.f32 [tilespmem:s12], [sflag:$0x1], $0x80, s16, s13, $0xb8;
	[tilespmem:$0x1A800] =	vst v63  }
.Ltmp0:
0x23: {  	_ = 	snop;
	(pc) =	sbr.rel @p0 .LBB2_2-.Ltmp0, $4  }
0x24: {  	_ = 	snop  }
0x25: {  	s15 =	sadd.s32 $0x200, s15  }
0x26: {  	_ =	swait.ge [sflag:s11], $0x2800  }
0x27: {  	[sflag:s11] =	ssyncset.done $0x0  }
0x28: {  	s14 =	sadd.s32 $0x1, s14  }
0x29: {  	[sflag:s11] =	ssyncadd.s32 $0xFFFFD800;
	p0 =	sne.s32 s14, s9  }
.Ltmp1:
0x2a: {  	[bflag:$0x0] =	sbarrier.arrive $0xFFFF;
	(pc) =	sbr.rel @p0 .LBB2_1-.Ltmp1, $4  }
0x2b: {  	[hbm:s8], [sflag:s6] =	dma.local [spmem:s10], $0x2800  }
0x2c: {  	_ =	swait.ge [sflag:s11], $0x2800  }
0x2d: {  	[sflag:s11] =	ssyncset.done $0x0  }
0x2e: {  	[sflag:s11] =	ssyncadd.s32 $0xFFFFD800  }
0x2f: {  	_ =	sfence.sel $0x180000  }
0x30: {  	[bflag:$0x0] =	sbarrier.arrive $0xFFFF  }
0x31: {  	p0 =	sne.s32 s3, $0x0;
	_ =	strace $0x90000047  }
0x32: {  	s0 =	sadd.s32 @!p0 $0x100000, s0;
	[bflag:$0x2] =	sbarrier.arrive $0xFFFF  }
0x33: {  	[sflag:s0] =	ssyncadd.tile.s32 @!p0 $0x1;
	_ =	shalt  }
.Lfunc_end2:
_tile_overlayer_lowered:
.L_overlay_start_2:
0x34: {  	(tag) =	ssettag $0x2  }
0x35: {  	s0 =	rddreg [dreg:$0x0];
	s2 =	stileid.u32  }
0x36: {  	s1 =	rddreg [dreg:$0x1];
	p0 =	sne.s32 s2, $0x0  }
0x37: {  	s3 =	rddreg [dreg:$0x2];
	[bflag:$0x3] =	sbarrier.arrive $0xFFFF;
	s2 =	simm.s32 @!p0 $0x1C01  }
0x38: {  	[timem:s3], [sflag:s2] =	dma.local @!p0 [hbm:s0], s1  }
0x39: {  	s0 =	simm.s32 @!p0 $0x1  }
0x3a: {  	_ =	swait.ge @!p0 [sflag:s0], s1  }
0x3b: {  	s1 =	ssub.s32 @!p0 $0x0, s1;
	[sflag:s0] =	ssyncset.done @!p0 $0x0  }
0x3c: {  	[sflag:s0] =	ssyncadd.s32 @!p0 s1  }
0x3d: {  	[bflag:$0x3] =	sbarrier.arrive $0xFFFF  }
0x3e: {  	_ =	shalt  }

</sc_bundles>
